<compile_context>
chip_gen: v7x
topology: tpu7x:2x2x1
jax: 0.10.2.dev20260603
libtpu: 0.0.44.dev20260713+nightly
codegen_flags: <defaults>
</compile_context>

<pallas_src>
import jax
import jax.numpy as jnp
from jax import lax
from jax.experimental import pallas as pl
from jax.experimental.pallas import tpu as pltpu
from jax.experimental.pallas import tpu_sc as plsc

NUM_CHARS = 1000
EMB_DIM = 64
EMB_PAD = 128
BATCH = 4096
SEQ = 20
N_EROWS = BATCH * SEQ


_INFO = plsc.get_sparse_core_info()
_NC = _INFO.num_cores
_NS = _INFO.num_subcores
_NW = _NC * _NS
_RW = N_EROWS // _NW
_CHUNK = 128
_NCHUNK = _RW // _CHUNK
_NB = 4
_NITER = _NCHUNK // _NB


def _gather_body(emb_hbm, idx_hbm, e_hbm, idx_v, *scratch):
    bufs = scratch[:_NB]
    gsem = scratch[_NB:2 * _NB]
    ssem = scratch[2 * _NB:3 * _NB]
    wid = lax.axis_index("s") * _NC + lax.axis_index("c")
    base = wid * _RW
    pltpu.sync_copy(idx_hbm.at[pl.ds(base, _RW)], idx_v)

    def g_copy(b, c):
        off = pl.multiple_of(c * _CHUNK, 8)
        return pltpu.make_async_copy(
            emb_hbm.at[idx_v.at[pl.ds(off, _CHUNK)]], bufs[b], gsem[b])

    def s_copy(b, c):
        off = pl.multiple_of(c * _CHUNK, 8)
        return pltpu.make_async_copy(
            bufs[b], e_hbm.at[pl.ds(base + off, _CHUNK)], ssem[b])

    for b in range(_NB):
        g_copy(b, b).start()

    def step(i, fire_next):
        for b in range(_NB):
            c = i * _NB + b
            g_copy(b, c).wait()
            s_copy(b, c).start()
            s_copy(b, c).wait()
            if fire_next:
                g_copy(b, c + _NB).start()
        return 0

    lax.fori_loop(0, _NITER - 1, lambda i, _: step(i, True), 0)
    step(_NITER - 1, False)


def _gather_e(emb_aug, idx_flat):
    mesh = plsc.VectorSubcoreMesh(core_axis_name="c", subcore_axis_name="s")
    return pl.kernel(
        _gather_body,
        out_type=jax.ShapeDtypeStruct((N_EROWS, EMB_PAD), jnp.float32),
        mesh=mesh,
        scratch_types=[
            pltpu.VMEM((_RW,), jnp.int32),
        ] + [pltpu.VMEM((_CHUNK, EMB_PAD), jnp.float32)] * _NB
          + [pltpu.SemaphoreType.DMA] * (2 * _NB),
    )(emb_aug, idx_flat)


_BBLK = 512
_NBBLK = BATCH // _BBLK


def _mm_body(w_ref, e_ref, out_ref):
    out_ref[0] = lax.dot_general(
        w_ref[...], e_ref[...],
        dimension_numbers=(((1,), (1,)), ((), ())),
        preferred_element_type=jnp.float32,
    )


def _linear_t(w_aug, e):
    return pl.pallas_call(
        _mm_body,
        grid=(SEQ, _NBBLK),
        in_specs=[
            pl.BlockSpec((NUM_CHARS, EMB_PAD), lambda s, j: (0, 0)),
            pl.BlockSpec((_BBLK, EMB_PAD),
                         lambda s, j: (s * _NBBLK + j, 0)),
        ],
        out_specs=pl.BlockSpec((1, NUM_CHARS, _BBLK), lambda s, j: (s, 0, j)),
        out_shape=jax.ShapeDtypeStruct((SEQ, NUM_CHARS, BATCH), jnp.float32),
    )(w_aug, e)


def kernel(x, emb_table, W, b):
    emb_aug = jnp.pad(emb_table, ((0, 0), (0, EMB_PAD - EMB_DIM)))
    emb_aug = emb_aug.at[:, EMB_DIM].set(1.0)
    w_aug = jnp.pad(W, ((0, 0), (0, EMB_PAD - EMB_DIM)))
    w_aug = w_aug.at[:, EMB_DIM].set(b)
    idx_flat = x.T.reshape(-1).astype(jnp.int32)
    e = _gather_e(emb_aug, idx_flat)
    out_t = _linear_t(w_aug, e)
    return out_t.transpose(2, 0, 1)

# --- scband reference (transcript-rebuilt; emitter-appended) ---
"""Pipeline reference for scband-architecture-3229815406875 (READ-ONLY COPY).

The authoritative reference and input builder live on the scoring server;
editing this copy changes nothing except your own understanding.
"""

import jax, jax.numpy as jnp
import numpy as np

NUM_CHARS = 1000
EMB_DIM = 64
BATCH = 4096
SEQ = 20

def setup_inputs(seed: int = 0) -> dict:
    key = jax.random.key(seed)
    k1, k2, k3, k4 = jax.random.split(key, 4)
    x = jax.random.randint(k1, (BATCH, SEQ), 0, NUM_CHARS, dtype=jnp.int64 if jax.config.jax_enable_x64 else jnp.int32)
    emb_table = jax.random.normal(k2, (NUM_CHARS, EMB_DIM), dtype=jnp.float32)
    # torch nn.Linear: weight [out_features, in_features], bias [out_features]
    bound = 1.0 / np.sqrt(EMB_DIM)
    W = jax.random.uniform(k3, (NUM_CHARS, EMB_DIM), minval=-bound, maxval=bound, dtype=jnp.float32)
    b = jax.random.uniform(k4, (NUM_CHARS,), minval=-bound, maxval=bound, dtype=jnp.float32)
    return {"x": x, "emb_table": emb_table, "W": W, "b": b}

def reference(x, emb_table, W, b):
    # Embedding lookup (gather)
    e = jnp.take(emb_table, x, axis=0)           # [B, S, emb_dim]
    # Linear: e @ W^T + b
    out = jnp.einsum('bse,ve->bsv', e, W) + b    # [B, S, num_chars]
    return out

if __name__ == "__main__":
    import jax
    _d = setup_inputs()
    print(jax.jit(kernel)(*tuple(_d.values())))

</pallas_src>

<mosaic_0001>
#map = affine_map<(d0, d1) -> (0, 0)>
#map1 = affine_map<(d0, d1) -> (0)>
module attributes {stable_mosaic.version = 14 : i64} {
  func.func @_gather_body(%arg0: i32, %arg1: i32, %arg2: memref<1000x128xf32, #tpu.memory_space<hbm>>, %arg3: memref<81920xi32, #tpu.memory_space<hbm>>, %arg4: memref<81920x128xf32, #tpu.memory_space<hbm>>, %arg5: memref<2560xi32, #tpu.memory_space<vmem>>, %arg6: memref<128x128xf32, #tpu.memory_space<vmem>>, %arg7: memref<128x128xf32, #tpu.memory_space<vmem>>, %arg8: memref<128x128xf32, #tpu.memory_space<vmem>>, %arg9: memref<128x128xf32, #tpu.memory_space<vmem>>, %arg10: memref<!tpu.dma_semaphore, #tpu.memory_space<semaphore_mem>>, %arg11: memref<!tpu.dma_semaphore, #tpu.memory_space<semaphore_mem>>, %arg12: memref<!tpu.dma_semaphore, #tpu.memory_space<semaphore_mem>>, %arg13: memref<!tpu.dma_semaphore, #tpu.memory_space<semaphore_mem>>, %arg14: memref<!tpu.dma_semaphore, #tpu.memory_space<semaphore_mem>>, %arg15: memref<!tpu.dma_semaphore, #tpu.memory_space<semaphore_mem>>, %arg16: memref<!tpu.dma_semaphore, #tpu.memory_space<semaphore_mem>>, %arg17: memref<!tpu.dma_semaphore, #tpu.memory_space<semaphore_mem>>) attributes {dimension_semantics = [#tpu.dimension_semantics<core_parallel>, #tpu.dimension_semantics<subcore_parallel>], iteration_bounds = array<i64: 2, 16>, scalar_prefetch = 0 : i64, scratch_operands = 13 : i64, tpu.core_type = #tpu.core_type<sc_vector_subcore>, window_params = [{transform_indices = #map}, {transform_indices = #map1}, {transform_indices = #map}]} {
    %mul3A = arith.constant 2 : i32
    %mul3A_0 = arith.muli %arg1, %mul3A : i32
    %add3A = arith.addi %mul3A_0, %arg0 : i32
    %mul3A_1 = arith.constant 2560 : i32
    %mul3A_2 = arith.muli %add3A, %mul3A_1 : i32
    "tpu.region"() ({
      %run_scoped3A = tpu.sem_alloc : memref<!tpu.dma_semaphore, #tpu.memory_space<semaphore_mem>>
      %dma_start3A_110 = tpu.memref_slice %arg3[%mul3A_2] : memref<81920xi32, #tpu.memory_space<hbm>> -> memref<2560xi32, #tpu.memory_space<hbm>>
      %dma_start3A_111 = tpu.memref_slice %arg3[%mul3A_2] : memref<81920xi32, #tpu.memory_space<hbm>> -> memref<2560xi32, #tpu.memory_space<hbm>>
      tpu.enqueue_dma source(%dma_start3A_111 : memref<2560xi32, #tpu.memory_space<hbm>>) target(%arg5 : memref<2560xi32, #tpu.memory_space<vmem>>) target_semaphore(%run_scoped3A : memref<!tpu.dma_semaphore, #tpu.memory_space<semaphore_mem>>)
      %dma_wait3A_112 = tpu.memref_slice %arg3[%mul3A_2] : memref<81920xi32, #tpu.memory_space<hbm>> -> memref<2560xi32, #tpu.memory_space<hbm>>
      %dma_wait3A_113 = tpu.memref_slice %arg3[%mul3A_2] : memref<81920xi32, #tpu.memory_space<hbm>> -> memref<2560xi32, #tpu.memory_space<hbm>>
      tpu.wait_dma2 semaphore(%run_scoped3A : memref<!tpu.dma_semaphore, #tpu.memory_space<semaphore_mem>>) src(%dma_wait3A_113 : memref<2560xi32, #tpu.memory_space<hbm>>) dst(%arg5 : memref<2560xi32, #tpu.memory_space<vmem>>)
      tpu.yield
    }) : () -> ()
    %multiple_of3A = arith.constant 0 : i32
    %multiple_of3A_3 = tpu.assume_multiple %multiple_of3A, 8 : i32
    %dma_start3A = tpu.memref_slice %arg5[%multiple_of3A_3] : memref<2560xi32, #tpu.memory_space<vmem>> -> memref<128xi32, #tpu.memory_space<vmem>>
    %dma_start3A_4 = arith.constant 0 : i32
    %dma_start3A_5 = arith.constant 0 : i32
    %dma_start3A_6 = tpu.memref_slice %arg2[%dma_start3A_4, %dma_start3A_5] : memref<1000x128xf32, #tpu.memory_space<hbm>> -> memref<1000x128xf32, #tpu.memory_space<hbm>>
    tpu.enqueue_indirect_dma source(%dma_start3A_6 : memref<1000x128xf32, #tpu.memory_space<hbm>>) target(%arg6 : memref<128x128xf32, #tpu.memory_space<vmem>>) offsets(%dma_start3A : memref<128xi32, #tpu.memory_space<vmem>>) semaphore(%arg10 : memref<!tpu.dma_semaphore, #tpu.memory_space<semaphore_mem>>)
    %multiple_of3A_7 = arith.constant 128 : i32
    %multiple_of3A_8 = tpu.assume_multiple %multiple_of3A_7, 8 : i32
    %dma_start3A_9 = tpu.memref_slice %arg5[%multiple_of3A_8] : memref<2560xi32, #tpu.memory_space<vmem>> -> memref<128xi32, #tpu.memory_space<vmem>>
    %dma_start3A_10 = arith.constant 0 : i32
    %dma_start3A_11 = arith.constant 0 : i32
    %dma_start3A_12 = tpu.memref_slice %arg2[%dma_start3A_10, %dma_start3A_11] : memref<1000x128xf32, #tpu.memory_space<hbm>> -> memref<1000x128xf32, #tpu.memory_space<hbm>>
    tpu.enqueue_indirect_dma source(%dma_start3A_12 : memref<1000x128xf32, #tpu.memory_space<hbm>>) target(%arg7 : memref<128x128xf32, #tpu.memory_space<vmem>>) offsets(%dma_start3A_9 : memref<128xi32, #tpu.memory_space<vmem>>) semaphore(%arg11 : memref<!tpu.dma_semaphore, #tpu.memory_space<semaphore_mem>>)
    %multiple_of3A_13 = arith.constant 256 : i32
    %multiple_of3A_14 = tpu.assume_multiple %multiple_of3A_13, 8 : i32
    %dma_start3A_15 = tpu.memref_slice %arg5[%multiple_of3A_14] : memref<2560xi32, #tpu.memory_space<vmem>> -> memref<128xi32, #tpu.memory_space<vmem>>
    %dma_start3A_16 = arith.constant 0 : i32
    %dma_start3A_17 = arith.constant 0 : i32
    %dma_start3A_18 = tpu.memref_slice %arg2[%dma_start3A_16, %dma_start3A_17] : memref<1000x128xf32, #tpu.memory_space<hbm>> -> memref<1000x128xf32, #tpu.memory_space<hbm>>
    tpu.enqueue_indirect_dma source(%dma_start3A_18 : memref<1000x128xf32, #tpu.memory_space<hbm>>) target(%arg8 : memref<128x128xf32, #tpu.memory_space<vmem>>) offsets(%dma_start3A_15 : memref<128xi32, #tpu.memory_space<vmem>>) semaphore(%arg12 : memref<!tpu.dma_semaphore, #tpu.memory_space<semaphore_mem>>)
    %multiple_of3A_19 = arith.constant 384 : i32
    %multiple_of3A_20 = tpu.assume_multiple %multiple_of3A_19, 8 : i32
    %dma_start3A_21 = tpu.memref_slice %arg5[%multiple_of3A_20] : memref<2560xi32, #tpu.memory_space<vmem>> -> memref<128xi32, #tpu.memory_space<vmem>>
    %dma_start3A_22 = arith.constant 0 : i32
    %dma_start3A_23 = arith.constant 0 : i32
    %dma_start3A_24 = tpu.memref_slice %arg2[%dma_start3A_22, %dma_start3A_23] : memref<1000x128xf32, #tpu.memory_space<hbm>> -> memref<1000x128xf32, #tpu.memory_space<hbm>>
    tpu.enqueue_indirect_dma source(%dma_start3A_24 : memref<1000x128xf32, #tpu.memory_space<hbm>>) target(%arg9 : memref<128x128xf32, #tpu.memory_space<vmem>>) offsets(%dma_start3A_21 : memref<128xi32, #tpu.memory_space<vmem>>) semaphore(%arg13 : memref<!tpu.dma_semaphore, #tpu.memory_space<semaphore_mem>>)
    %scan3A = arith.constant 0 : i32
    %scan3A_25 = arith.constant 0 : i32
    %scan3A_26 = arith.constant 4 : i32
    %scan3A_27 = arith.addi %scan3A_25, %scan3A_26 : i32
    %scan3A_28 = arith.constant 1 : i32
    %scan3A_29 = scf.for %scan3A_110 = %scan3A_25 to %scan3A_27 step %scan3A_28 iter_args(%scan3A_111 = %scan3A) -> (i32)  : i32 {
      %mul3A_112 = arith.constant 4 : i32
      %mul3A_113 = arith.muli %scan3A_110, %mul3A_112 : i32
      %add3A_114 = arith.constant 0 : i32
      %add3A_115 = arith.addi %mul3A_113, %add3A_114 : i32
      %mul3A_116 = arith.constant 128 : i32
      %mul3A_117 = arith.muli %add3A_115, %mul3A_116 : i32
      %multiple_of3A_118 = tpu.assume_multiple %mul3A_117, 8 : i32
      %dma_wait3A_119 = tpu.memref_slice %arg5[%multiple_of3A_118] : memref<2560xi32, #tpu.memory_space<vmem>> -> memref<128xi32, #tpu.memory_space<vmem>>
      %dma_wait3A_120 = arith.constant 0 : i32
      %dma_wait3A_121 = arith.constant 0 : i32
      %dma_wait3A_122 = tpu.memref_slice %arg2[%dma_wait3A_120, %dma_wait3A_121] : memref<1000x128xf32, #tpu.memory_space<hbm>> -> memref<1000x128xf32, #tpu.memory_space<hbm>>
      tpu.wait_indirect_dma semaphore(%arg10 : memref<!tpu.dma_semaphore, #tpu.memory_space<semaphore_mem>>) src(%dma_wait3A_122 : memref<1000x128xf32, #tpu.memory_space<hbm>>) dst(%arg6 : memref<128x128xf32, #tpu.memory_space<vmem>>)
      %mul3A_123 = arith.constant 128 : i32
      %mul3A_124 = arith.muli %add3A_115, %mul3A_123 : i32
      %multiple_of3A_125 = tpu.assume_multiple %mul3A_124, 8 : i32
      %add3A_126 = arith.addi %mul3A_2, %multiple_of3A_125 : i32
      %dma_start3A_127 = arith.constant 0 : i32
      %dma_start3A_128 = tpu.memref_slice %arg4[%add3A_126, %dma_start3A_127] : memref<81920x128xf32, #tpu.memory_space<hbm>> -> memref<128x128xf32, #tpu.memory_space<hbm>>
      %dma_start3A_129 = arith.constant 0 : i32
      %dma_start3A_130 = tpu.memref_slice %arg4[%add3A_126, %dma_start3A_129] : memref<81920x128xf32, #tpu.memory_space<hbm>> -> memref<128x128xf32, #tpu.memory_space<hbm>>
      tpu.enqueue_dma source(%arg6 : memref<128x128xf32, #tpu.memory_space<vmem>>) target(%dma_start3A_130 : memref<128x128xf32, #tpu.memory_space<hbm>>) target_semaphore(%arg14 : memref<!tpu.dma_semaphore, #tpu.memory_space<semaphore_mem>>)
      %mul3A_131 = arith.constant 128 : i32
      %mul3A_132 = arith.muli %add3A_115, %mul3A_131 : i32
      %multiple_of3A_133 = tpu.assume_multiple %mul3A_132, 8 : i32
      %add3A_134 = arith.addi %mul3A_2, %multiple_of3A_133 : i32
      %dma_wait3A_135 = arith.constant 0 : i32
      %dma_wait3A_136 = tpu.memref_slice %arg4[%add3A_134, %dma_wait3A_135] : memref<81920x128xf32, #tpu.memory_space<hbm>> -> memref<128x128xf32, #tpu.memory_space<hbm>>
      %dma_wait3A_137 = arith.constant 0 : i32
      %dma_wait3A_138 = tpu.memref_slice %arg4[%add3A_134, %dma_wait3A_137] : memref<81920x128xf32, #tpu.memory_space<hbm>> -> memref<128x128xf32, #tpu.memory_space<hbm>>
      tpu.wait_dma2 semaphore(%arg14 : memref<!tpu.dma_semaphore, #tpu.memory_space<semaphore_mem>>) src(%arg6 : memref<128x128xf32, #tpu.memory_space<vmem>>) dst(%dma_wait3A_138 : memref<128x128xf32, #tpu.memory_space<hbm>>)
      %add3A_139 = arith.constant 4 : i32
      %add3A_140 = arith.addi %add3A_115, %add3A_139 : i32
      %mul3A_141 = arith.constant 128 : i32
      %mul3A_142 = arith.muli %add3A_140, %mul3A_141 : i32
      %multiple_of3A_143 = tpu.assume_multiple %mul3A_142, 8 : i32
      %dma_start3A_144 = tpu.memref_slice %arg5[%multiple_of3A_143] : memref<2560xi32, #tpu.memory_space<vmem>> -> memref<128xi32, #tpu.memory_space<vmem>>
      %dma_start3A_145 = arith.constant 0 : i32
      %dma_start3A_146 = arith.constant 0 : i32
      %dma_start3A_147 = tpu.memref_slice %arg2[%dma_start3A_145, %dma_start3A_146] : memref<1000x128xf32, #tpu.memory_space<hbm>> -> memref<1000x128xf32, #tpu.memory_space<hbm>>
      tpu.enqueue_indirect_dma source(%dma_start3A_147 : memref<1000x128xf32, #tpu.memory_space<hbm>>) target(%arg6 : memref<128x128xf32, #tpu.memory_space<vmem>>) offsets(%dma_start3A_144 : memref<128xi32, #tpu.memory_space<vmem>>) semaphore(%arg10 : memref<!tpu.dma_semaphore, #tpu.memory_space<semaphore_mem>>)
      %mul3A_148 = arith.constant 4 : i32
      %mul3A_149 = arith.muli %scan3A_110, %mul3A_148 : i32
      %add3A_150 = arith.constant 1 : i32
      %add3A_151 = arith.addi %mul3A_149, %add3A_150 : i32
      %mul3A_152 = arith.constant 128 : i32
      %mul3A_153 = arith.muli %add3A_151, %mul3A_152 : i32
      %multiple_of3A_154 = tpu.assume_multiple %mul3A_153, 8 : i32
      %dma_wait3A_155 = tpu.memref_slice %arg5[%multiple_of3A_154] : memref<2560xi32, #tpu.memory_space<vmem>> -> memref<128xi32, #tpu.memory_space<vmem>>
      %dma_wait3A_156 = arith.constant 0 : i32
      %dma_wait3A_157 = arith.constant 0 : i32
      %dma_wait3A_158 = tpu.memref_slice %arg2[%dma_wait3A_156, %dma_wait3A_157] : memref<1000x128xf32, #tpu.memory_space<hbm>> -> memref<1000x128xf32, #tpu.memory_space<hbm>>
      tpu.wait_indirect_dma semaphore(%arg11 : memref<!tpu.dma_semaphore, #tpu.memory_space<semaphore_mem>>) src(%dma_wait3A_158 : memref<1000x128xf32, #tpu.memory_space<hbm>>) dst(%arg7 : memref<128x128xf32, #tpu.memory_space<vmem>>)
      %mul3A_159 = arith.constant 128 : i32
      %mul3A_160 = arith.muli %add3A_151, %mul3A_159 : i32
      %multiple_of3A_161 = tpu.assume_multiple %mul3A_160, 8 : i32
      %add3A_162 = arith.addi %mul3A_2, %multiple_of3A_161 : i32
      %dma_start3A_163 = arith.constant 0 : i32
      %dma_start3A_164 = tpu.memref_slice %arg4[%add3A_162, %dma_start3A_163] : memref<81920x128xf32, #tpu.memory_space<hbm>> -> memref<128x128xf32, #tpu.memory_space<hbm>>
      %dma_start3A_165 = arith.constant 0 : i32
      %dma_start3A_166 = tpu.memref_slice %arg4[%add3A_162, %dma_start3A_165] : memref<81920x128xf32, #tpu.memory_space<hbm>> -> memref<128x128xf32, #tpu.memory_space<hbm>>
      tpu.enqueue_dma source(%arg7 : memref<128x128xf32, #tpu.memory_space<vmem>>) target(%dma_start3A_166 : memref<128x128xf32, #tpu.memory_space<hbm>>) target_semaphore(%arg15 : memref<!tpu.dma_semaphore, #tpu.memory_space<semaphore_mem>>)
      %mul3A_167 = arith.constant 128 : i32
      %mul3A_168 = arith.muli %add3A_151, %mul3A_167 : i32
      %multiple_of3A_169 = tpu.assume_multiple %mul3A_168, 8 : i32
      %add3A_170 = arith.addi %mul3A_2, %multiple_of3A_169 : i32
      %dma_wait3A_171 = arith.constant 0 : i32
      %dma_wait3A_172 = tpu.memref_slice %arg4[%add3A_170, %dma_wait3A_171] : memref<81920x128xf32, #tpu.memory_space<hbm>> -> memref<128x128xf32, #tpu.memory_space<hbm>>
      %dma_wait3A_173 = arith.constant 0 : i32
      %dma_wait3A_174 = tpu.memref_slice %arg4[%add3A_170, %dma_wait3A_173] : memref<81920x128xf32, #tpu.memory_space<hbm>> -> memref<128x128xf32, #tpu.memory_space<hbm>>
      tpu.wait_dma2 semaphore(%arg15 : memref<!tpu.dma_semaphore, #tpu.memory_space<semaphore_mem>>) src(%arg7 : memref<128x128xf32, #tpu.memory_space<vmem>>) dst(%dma_wait3A_174 : memref<128x128xf32, #tpu.memory_space<hbm>>)
      %add3A_175 = arith.constant 4 : i32
      %add3A_176 = arith.addi %add3A_151, %add3A_175 : i32
      %mul3A_177 = arith.constant 128 : i32
      %mul3A_178 = arith.muli %add3A_176, %mul3A_177 : i32
      %multiple_of3A_179 = tpu.assume_multiple %mul3A_178, 8 : i32
      %dma_start3A_180 = tpu.memref_slice %arg5[%multiple_of3A_179] : memref<2560xi32, #tpu.memory_space<vmem>> -> memref<128xi32, #tpu.memory_space<vmem>>
      %dma_start3A_181 = arith.constant 0 : i32
      %dma_start3A_182 = arith.constant 0 : i32
      %dma_start3A_183 = tpu.memref_slice %arg2[%dma_start3A_181, %dma_start3A_182] : memref<1000x128xf32, #tpu.memory_space<hbm>> -> memref<1000x128xf32, #tpu.memory_space<hbm>>
      tpu.enqueue_indirect_dma source(%dma_start3A_183 : memref<1000x128xf32, #tpu.memory_space<hbm>>) target(%arg7 : memref<128x128xf32, #tpu.memory_space<vmem>>) offsets(%dma_start3A_180 : memref<128xi32, #tpu.memory_space<vmem>>) semaphore(%arg11 : memref<!tpu.dma_semaphore, #tpu.memory_space<semaphore_mem>>)
      %mul3A_184 = arith.constant 4 : i32
      %mul3A_185 = arith.muli %scan3A_110, %mul3A_184 : i32
      %add3A_186 = arith.constant 2 : i32
      %add3A_187 = arith.addi %mul3A_185, %add3A_186 : i32
      %mul3A_188 = arith.constant 128 : i32
      %mul3A_189 = arith.muli %add3A_187, %mul3A_188 : i32
      %multiple_of3A_190 = tpu.assume_multiple %mul3A_189, 8 : i32
      %dma_wait3A_191 = tpu.memref_slice %arg5[%multiple_of3A_190] : memref<2560xi32, #tpu.memory_space<vmem>> -> memref<128xi32, #tpu.memory_space<vmem>>
      %dma_wait3A_192 = arith.constant 0 : i32
      %dma_wait3A_193 = arith.constant 0 : i32
      %dma_wait3A_194 = tpu.memref_slice %arg2[%dma_wait3A_192, %dma_wait3A_193] : memref<1000x128xf32, #tpu.memory_space<hbm>> -> memref<1000x128xf32, #tpu.memory_space<hbm>>
      tpu.wait_indirect_dma semaphore(%arg12 : memref<!tpu.dma_semaphore, #tpu.memory_space<semaphore_mem>>) src(%dma_wait3A_194 : memref<1000x128xf32, #tpu.memory_space<hbm>>) dst(%arg8 : memref<128x128xf32, #tpu.memory_space<vmem>>)
      %mul3A_195 = arith.constant 128 : i32
      %mul3A_196 = arith.muli %add3A_187, %mul3A_195 : i32
      %multiple_of3A_197 = tpu.assume_multiple %mul3A_196, 8 : i32
      %add3A_198 = arith.addi %mul3A_2, %multiple_of3A_197 : i32
      %dma_start3A_199 = arith.constant 0 : i32
      %dma_start3A_200 = tpu.memref_slice %arg4[%add3A_198, %dma_start3A_199] : memref<81920x128xf32, #tpu.memory_space<hbm>> -> memref<128x128xf32, #tpu.memory_space<hbm>>
      %dma_start3A_201 = arith.constant 0 : i32
      %dma_start3A_202 = tpu.memref_slice %arg4[%add3A_198, %dma_start3A_201] : memref<81920x128xf32, #tpu.memory_space<hbm>> -> memref<128x128xf32, #tpu.memory_space<hbm>>
      tpu.enqueue_dma source(%arg8 : memref<128x128xf32, #tpu.memory_space<vmem>>) target(%dma_start3A_202 : memref<128x128xf32, #tpu.memory_space<hbm>>) target_semaphore(%arg16 : memref<!tpu.dma_semaphore, #tpu.memory_space<semaphore_mem>>)
      %mul3A_203 = arith.constant 128 : i32
      %mul3A_204 = arith.muli %add3A_187, %mul3A_203 : i32
      %multiple_of3A_205 = tpu.assume_multiple %mul3A_204, 8 : i32
      %add3A_206 = arith.addi %mul3A_2, %multiple_of3A_205 : i32
      %dma_wait3A_207 = arith.constant 0 : i32
      %dma_wait3A_208 = tpu.memref_slice %arg4[%add3A_206, %dma_wait3A_207] : memref<81920x128xf32, #tpu.memory_space<hbm>> -> memref<128x128xf32, #tpu.memory_space<hbm>>
      %dma_wait3A_209 = arith.constant 0 : i32
      %dma_wait3A_210 = tpu.memref_slice %arg4[%add3A_206, %dma_wait3A_209] : memref<81920x128xf32, #tpu.memory_space<hbm>> -> memref<128x128xf32, #tpu.memory_space<hbm>>
      tpu.wait_dma2 semaphore(%arg16 : memref<!tpu.dma_semaphore, #tpu.memory_space<semaphore_mem>>) src(%arg8 : memref<128x128xf32, #tpu.memory_space<vmem>>) dst(%dma_wait3A_210 : memref<128x128xf32, #tpu.memory_space<hbm>>)
      %add3A_211 = arith.constant 4 : i32
      %add3A_212 = arith.addi %add3A_187, %add3A_211 : i32
      %mul3A_213 = arith.constant 128 : i32
      %mul3A_214 = arith.muli %add3A_212, %mul3A_213 : i32
      %multiple_of3A_215 = tpu.assume_multiple %mul3A_214, 8 : i32
      %dma_start3A_216 = tpu.memref_slice %arg5[%multiple_of3A_215] : memref<2560xi32, #tpu.memory_space<vmem>> -> memref<128xi32, #tpu.memory_space<vmem>>
      %dma_start3A_217 = arith.constant 0 : i32
      %dma_start3A_218 = arith.constant 0 : i32
      %dma_start3A_219 = tpu.memref_slice %arg2[%dma_start3A_217, %dma_start3A_218] : memref<1000x128xf32, #tpu.memory_space<hbm>> -> memref<1000x128xf32, #tpu.memory_space<hbm>>
      tpu.enqueue_indirect_dma source(%dma_start3A_219 : memref<1000x128xf32, #tpu.memory_space<hbm>>) target(%arg8 : memref<128x128xf32, #tpu.memory_space<vmem>>) offsets(%dma_start3A_216 : memref<128xi32, #tpu.memory_space<vmem>>) semaphore(%arg12 : memref<!tpu.dma_semaphore, #tpu.memory_space<semaphore_mem>>)
      %mul3A_220 = arith.constant 4 : i32
      %mul3A_221 = arith.muli %scan3A_110, %mul3A_220 : i32
      %add3A_222 = arith.constant 3 : i32
      %add3A_223 = arith.addi %mul3A_221, %add3A_222 : i32
      %mul3A_224 = arith.constant 128 : i32
      %mul3A_225 = arith.muli %add3A_223, %mul3A_224 : i32
      %multiple_of3A_226 = tpu.assume_multiple %mul3A_225, 8 : i32
      %dma_wait3A_227 = tpu.memref_slice %arg5[%multiple_of3A_226] : memref<2560xi32, #tpu.memory_space<vmem>> -> memref<128xi32, #tpu.memory_space<vmem>>
      %dma_wait3A_228 = arith.constant 0 : i32
      %dma_wait3A_229 = arith.constant 0 : i32
      %dma_wait3A_230 = tpu.memref_slice %arg2[%dma_wait3A_228, %dma_wait3A_229] : memref<1000x128xf32, #tpu.memory_space<hbm>> -> memref<1000x128xf32, #tpu.memory_space<hbm>>
      tpu.wait_indirect_dma semaphore(%arg13 : memref<!tpu.dma_semaphore, #tpu.memory_space<semaphore_mem>>) src(%dma_wait3A_230 : memref<1000x128xf32, #tpu.memory_space<hbm>>) dst(%arg9 : memref<128x128xf32, #tpu.memory_space<vmem>>)
      %mul3A_231 = arith.constant 128 : i32
      %mul3A_232 = arith.muli %add3A_223, %mul3A_231 : i32
      %multiple_of3A_233 = tpu.assume_multiple %mul3A_232, 8 : i32
      %add3A_234 = arith.addi %mul3A_2, %multiple_of3A_233 : i32
      %dma_start3A_235 = arith.constant 0 : i32
      %dma_start3A_236 = tpu.memref_slice %arg4[%add3A_234, %dma_start3A_235] : memref<81920x128xf32, #tpu.memory_space<hbm>> -> memref<128x128xf32, #tpu.memory_space<hbm>>
      %dma_start3A_237 = arith.constant 0 : i32
      %dma_start3A_238 = tpu.memref_slice %arg4[%add3A_234, %dma_start3A_237] : memref<81920x128xf32, #tpu.memory_space<hbm>> -> memref<128x128xf32, #tpu.memory_space<hbm>>
      tpu.enqueue_dma source(%arg9 : memref<128x128xf32, #tpu.memory_space<vmem>>) target(%dma_start3A_238 : memref<128x128xf32, #tpu.memory_space<hbm>>) target_semaphore(%arg17 : memref<!tpu.dma_semaphore, #tpu.memory_space<semaphore_mem>>)
      %mul3A_239 = arith.constant 128 : i32
      %mul3A_240 = arith.muli %add3A_223, %mul3A_239 : i32
      %multiple_of3A_241 = tpu.assume_multiple %mul3A_240, 8 : i32
      %add3A_242 = arith.addi %mul3A_2, %multiple_of3A_241 : i32
      %dma_wait3A_243 = arith.constant 0 : i32
      %dma_wait3A_244 = tpu.memref_slice %arg4[%add3A_242, %dma_wait3A_243] : memref<81920x128xf32, #tpu.memory_space<hbm>> -> memref<128x128xf32, #tpu.memory_space<hbm>>
      %dma_wait3A_245 = arith.constant 0 : i32
      %dma_wait3A_246 = tpu.memref_slice %arg4[%add3A_242, %dma_wait3A_245] : memref<81920x128xf32, #tpu.memory_space<hbm>> -> memref<128x128xf32, #tpu.memory_space<hbm>>
      tpu.wait_dma2 semaphore(%arg17 : memref<!tpu.dma_semaphore, #tpu.memory_space<semaphore_mem>>) src(%arg9 : memref<128x128xf32, #tpu.memory_space<vmem>>) dst(%dma_wait3A_246 : memref<128x128xf32, #tpu.memory_space<hbm>>)
      %add3A_247 = arith.constant 4 : i32
      %add3A_248 = arith.addi %add3A_223, %add3A_247 : i32
      %mul3A_249 = arith.constant 128 : i32
      %mul3A_250 = arith.muli %add3A_248, %mul3A_249 : i32
      %multiple_of3A_251 = tpu.assume_multiple %mul3A_250, 8 : i32
      %dma_start3A_252 = tpu.memref_slice %arg5[%multiple_of3A_251] : memref<2560xi32, #tpu.memory_space<vmem>> -> memref<128xi32, #tpu.memory_space<vmem>>
      %dma_start3A_253 = arith.constant 0 : i32
      %dma_start3A_254 = arith.constant 0 : i32
      %dma_start3A_255 = tpu.memref_slice %arg2[%dma_start3A_253, %dma_start3A_254] : memref<1000x128xf32, #tpu.memory_space<hbm>> -> memref<1000x128xf32, #tpu.memory_space<hbm>>
      tpu.enqueue_indirect_dma source(%dma_start3A_255 : memref<1000x128xf32, #tpu.memory_space<hbm>>) target(%arg9 : memref<128x128xf32, #tpu.memory_space<vmem>>) offsets(%dma_start3A_252 : memref<128xi32, #tpu.memory_space<vmem>>) semaphore(%arg13 : memref<!tpu.dma_semaphore, #tpu.memory_space<semaphore_mem>>)
      %scan3A_256 = arith.constant 0 : i32
      scf.yield %scan3A_256 : i32
    }
    %scan3A_30 = arith.constant 4 : i32
    %multiple_of3A_31 = arith.constant 2048 : i32
    %multiple_of3A_32 = tpu.assume_multiple %multiple_of3A_31, 8 : i32
    %dma_wait3A = tpu.memref_slice %arg5[%multiple_of3A_32] : memref<2560xi32, #tpu.memory_space<vmem>> -> memref<128xi32, #tpu.memory_space<vmem>>
    %dma_wait3A_33 = arith.constant 0 : i32
    %dma_wait3A_34 = arith.constant 0 : i32
    %dma_wait3A_35 = tpu.memref_slice %arg2[%dma_wait3A_33, %dma_wait3A_34] : memref<1000x128xf32, #tpu.memory_space<hbm>> -> memref<1000x128xf32, #tpu.memory_space<hbm>>
    tpu.wait_indirect_dma semaphore(%arg10 : memref<!tpu.dma_semaphore, #tpu.memory_space<semaphore_mem>>) src(%dma_wait3A_35 : memref<1000x128xf32, #tpu.memory_space<hbm>>) dst(%arg6 : memref<128x128xf32, #tpu.memory_space<vmem>>)
    %multiple_of3A_36 = arith.constant 2048 : i32
    %multiple_of3A_37 = tpu.assume_multiple %multiple_of3A_36, 8 : i32
    %add3A_38 = arith.addi %mul3A_2, %multiple_of3A_37 : i32
    %dma_start3A_39 = arith.constant 0 : i32
    %dma_start3A_40 = tpu.memref_slice %arg4[%add3A_38, %dma_start3A_39] : memref<81920x128xf32, #tpu.memory_space<hbm>> -> memref<128x128xf32, #tpu.memory_space<hbm>>
    %dma_start3A_41 = arith.constant 0 : i32
    %dma_start3A_42 = tpu.memref_slice %arg4[%add3A_38, %dma_start3A_41] : memref<81920x128xf32, #tpu.memory_space<hbm>> -> memref<128x128xf32, #tpu.memory_space<hbm>>
    tpu.enqueue_dma source(%arg6 : memref<128x128xf32, #tpu.memory_space<vmem>>) target(%dma_start3A_42 : memref<128x128xf32, #tpu.memory_space<hbm>>) target_semaphore(%arg14 : memref<!tpu.dma_semaphore, #tpu.memory_space<semaphore_mem>>)
    %multiple_of3A_43 = arith.constant 2048 : i32
    %multiple_of3A_44 = tpu.assume_multiple %multiple_of3A_43, 8 : i32
    %add3A_45 = arith.addi %mul3A_2, %multiple_of3A_44 : i32
    %dma_wait3A_46 = arith.constant 0 : i32
    %dma_wait3A_47 = tpu.memref_slice %arg4[%add3A_45, %dma_wait3A_46] : memref<81920x128xf32, #tpu.memory_space<hbm>> -> memref<128x128xf32, #tpu.memory_space<hbm>>
    %dma_wait3A_48 = arith.constant 0 : i32
    %dma_wait3A_49 = tpu.memref_slice %arg4[%add3A_45, %dma_wait3A_48] : memref<81920x128xf32, #tpu.memory_space<hbm>> -> memref<128x128xf32, #tpu.memory_space<hbm>>
    tpu.wait_dma2 semaphore(%arg14 : memref<!tpu.dma_semaphore, #tpu.memory_space<semaphore_mem>>) src(%arg6 : memref<128x128xf32, #tpu.memory_space<vmem>>) dst(%dma_wait3A_49 : memref<128x128xf32, #tpu.memory_space<hbm>>)
    %multiple_of3A_50 = arith.constant 2176 : i32
    %multiple_of3A_51 = tpu.assume_multiple %multiple_of3A_50, 8 : i32
    %dma_wait3A_52 = tpu.memref_slice %arg5[%multiple_of3A_51] : memref<2560xi32, #tpu.memory_space<vmem>> -> memref<128xi32, #tpu.memory_space<vmem>>
    %dma_wait3A_53 = arith.constant 0 : i32
    %dma_wait3A_54 = arith.constant 0 : i32
    %dma_wait3A_55 = tpu.memref_slice %arg2[%dma_wait3A_53, %dma_wait3A_54] : memref<1000x128xf32, #tpu.memory_space<hbm>> -> memref<1000x128xf32, #tpu.memory_space<hbm>>
    tpu.wait_indirect_dma semaphore(%arg11 : memref<!tpu.dma_semaphore, #tpu.memory_space<semaphore_mem>>) src(%dma_wait3A_55 : memref<1000x128xf32, #tpu.memory_space<hbm>>) dst(%arg7 : memref<128x128xf32, #tpu.memory_space<vmem>>)
    %multiple_of3A_56 = arith.constant 2176 : i32
    %multiple_of3A_57 = tpu.assume_multiple %multiple_of3A_56, 8 : i32
    %add3A_58 = arith.addi %mul3A_2, %multiple_of3A_57 : i32
    %dma_start3A_59 = arith.constant 0 : i32
    %dma_start3A_60 = tpu.memref_slice %arg4[%add3A_58, %dma_start3A_59] : memref<81920x128xf32, #tpu.memory_space<hbm>> -> memref<128x128xf32, #tpu.memory_space<hbm>>
    %dma_start3A_61 = arith.constant 0 : i32
    %dma_start3A_62 = tpu.memref_slice %arg4[%add3A_58, %dma_start3A_61] : memref<81920x128xf32, #tpu.memory_space<hbm>> -> memref<128x128xf32, #tpu.memory_space<hbm>>
    tpu.enqueue_dma source(%arg7 : memref<128x128xf32, #tpu.memory_space<vmem>>) target(%dma_start3A_62 : memref<128x128xf32, #tpu.memory_space<hbm>>) target_semaphore(%arg15 : memref<!tpu.dma_semaphore, #tpu.memory_space<semaphore_mem>>)
    %multiple_of3A_63 = arith.constant 2176 : i32
    %multiple_of3A_64 = tpu.assume_multiple %multiple_of3A_63, 8 : i32
    %add3A_65 = arith.addi %mul3A_2, %multiple_of3A_64 : i32
    %dma_wait3A_66 = arith.constant 0 : i32
    %dma_wait3A_67 = tpu.memref_slice %arg4[%add3A_65, %dma_wait3A_66] : memref<81920x128xf32, #tpu.memory_space<hbm>> -> memref<128x128xf32, #tpu.memory_space<hbm>>
    %dma_wait3A_68 = arith.constant 0 : i32
    %dma_wait3A_69 = tpu.memref_slice %arg4[%add3A_65, %dma_wait3A_68] : memref<81920x128xf32, #tpu.memory_space<hbm>> -> memref<128x128xf32, #tpu.memory_space<hbm>>
    tpu.wait_dma2 semaphore(%arg15 : memref<!tpu.dma_semaphore, #tpu.memory_space<semaphore_mem>>) src(%arg7 : memref<128x128xf32, #tpu.memory_space<vmem>>) dst(%dma_wait3A_69 : memref<128x128xf32, #tpu.memory_space<hbm>>)
    %multiple_of3A_70 = arith.constant 2304 : i32
    %multiple_of3A_71 = tpu.assume_multiple %multiple_of3A_70, 8 : i32
    %dma_wait3A_72 = tpu.memref_slice %arg5[%multiple_of3A_71] : memref<2560xi32, #tpu.memory_space<vmem>> -> memref<128xi32, #tpu.memory_space<vmem>>
    %dma_wait3A_73 = arith.constant 0 : i32
    %dma_wait3A_74 = arith.constant 0 : i32
    %dma_wait3A_75 = tpu.memref_slice %arg2[%dma_wait3A_73, %dma_wait3A_74] : memref<1000x128xf32, #tpu.memory_space<hbm>> -> memref<1000x128xf32, #tpu.memory_space<hbm>>
    tpu.wait_indirect_dma semaphore(%arg12 : memref<!tpu.dma_semaphore, #tpu.memory_space<semaphore_mem>>) src(%dma_wait3A_75 : memref<1000x128xf32, #tpu.memory_space<hbm>>) dst(%arg8 : memref<128x128xf32, #tpu.memory_space<vmem>>)
    %multiple_of3A_76 = arith.constant 2304 : i32
    %multiple_of3A_77 = tpu.assume_multiple %multiple_of3A_76, 8 : i32
    %add3A_78 = arith.addi %mul3A_2, %multiple_of3A_77 : i32
    %dma_start3A_79 = arith.constant 0 : i32
    %dma_start3A_80 = tpu.memref_slice %arg4[%add3A_78, %dma_start3A_79] : memref<81920x128xf32, #tpu.memory_space<hbm>> -> memref<128x128xf32, #tpu.memory_space<hbm>>
    %dma_start3A_81 = arith.constant 0 : i32
    %dma_start3A_82 = tpu.memref_slice %arg4[%add3A_78, %dma_start3A_81] : memref<81920x128xf32, #tpu.memory_space<hbm>> -> memref<128x128xf32, #tpu.memory_space<hbm>>
    tpu.enqueue_dma source(%arg8 : memref<128x128xf32, #tpu.memory_space<vmem>>) target(%dma_start3A_82 : memref<128x128xf32, #tpu.memory_space<hbm>>) target_semaphore(%arg16 : memref<!tpu.dma_semaphore, #tpu.memory_space<semaphore_mem>>)
    %multiple_of3A_83 = arith.constant 2304 : i32
    %multiple_of3A_84 = tpu.assume_multiple %multiple_of3A_83, 8 : i32
    %add3A_85 = arith.addi %mul3A_2, %multiple_of3A_84 : i32
    %dma_wait3A_86 = arith.constant 0 : i32
    %dma_wait3A_87 = tpu.memref_slice %arg4[%add3A_85, %dma_wait3A_86] : memref<81920x128xf32, #tpu.memory_space<hbm>> -> memref<128x128xf32, #tpu.memory_space<hbm>>
    %dma_wait3A_88 = arith.constant 0 : i32
    %dma_wait3A_89 = tpu.memref_slice %arg4[%add3A_85, %dma_wait3A_88] : memref<81920x128xf32, #tpu.memory_space<hbm>> -> memref<128x128xf32, #tpu.memory_space<hbm>>
    tpu.wait_dma2 semaphore(%arg16 : memref<!tpu.dma_semaphore, #tpu.memory_space<semaphore_mem>>) src(%arg8 : memref<128x128xf32, #tpu.memory_space<vmem>>) dst(%dma_wait3A_89 : memref<128x128xf32, #tpu.memory_space<hbm>>)
    %multiple_of3A_90 = arith.constant 2432 : i32
    %multiple_of3A_91 = tpu.assume_multiple %multiple_of3A_90, 8 : i32
    %dma_wait3A_92 = tpu.memref_slice %arg5[%multiple_of3A_91] : memref<2560xi32, #tpu.memory_space<vmem>> -> memref<128xi32, #tpu.memory_space<vmem>>
    %dma_wait3A_93 = arith.constant 0 : i32
    %dma_wait3A_94 = arith.constant 0 : i32
    %dma_wait3A_95 = tpu.memref_slice %arg2[%dma_wait3A_93, %dma_wait3A_94] : memref<1000x128xf32, #tpu.memory_space<hbm>> -> memref<1000x128xf32, #tpu.memory_space<hbm>>
    tpu.wait_indirect_dma semaphore(%arg13 : memref<!tpu.dma_semaphore, #tpu.memory_space<semaphore_mem>>) src(%dma_wait3A_95 : memref<1000x128xf32, #tpu.memory_space<hbm>>) dst(%arg9 : memref<128x128xf32, #tpu.memory_space<vmem>>)
    %multiple_of3A_96 = arith.constant 2432 : i32
    %multiple_of3A_97 = tpu.assume_multiple %multiple_of3A_96, 8 : i32
    %add3A_98 = arith.addi %mul3A_2, %multiple_of3A_97 : i32
    %dma_start3A_99 = arith.constant 0 : i32
    %dma_start3A_100 = tpu.memref_slice %arg4[%add3A_98, %dma_start3A_99] : memref<81920x128xf32, #tpu.memory_space<hbm>> -> memref<128x128xf32, #tpu.memory_space<hbm>>
    %dma_start3A_101 = arith.constant 0 : i32
    %dma_start3A_102 = tpu.memref_slice %arg4[%add3A_98, %dma_start3A_101] : memref<81920x128xf32, #tpu.memory_space<hbm>> -> memref<128x128xf32, #tpu.memory_space<hbm>>
    tpu.enqueue_dma source(%arg9 : memref<128x128xf32, #tpu.memory_space<vmem>>) target(%dma_start3A_102 : memref<128x128xf32, #tpu.memory_space<hbm>>) target_semaphore(%arg17 : memref<!tpu.dma_semaphore, #tpu.memory_space<semaphore_mem>>)
    %multiple_of3A_103 = arith.constant 2432 : i32
    %multiple_of3A_104 = tpu.assume_multiple %multiple_of3A_103, 8 : i32
    %add3A_105 = arith.addi %mul3A_2, %multiple_of3A_104 : i32
    %dma_wait3A_106 = arith.constant 0 : i32
    %dma_wait3A_107 = tpu.memref_slice %arg4[%add3A_105, %dma_wait3A_106] : memref<81920x128xf32, #tpu.memory_space<hbm>> -> memref<128x128xf32, #tpu.memory_space<hbm>>
    %dma_wait3A_108 = arith.constant 0 : i32
    %dma_wait3A_109 = tpu.memref_slice %arg4[%add3A_105, %dma_wait3A_108] : memref<81920x128xf32, #tpu.memory_space<hbm>> -> memref<128x128xf32, #tpu.memory_space<hbm>>
    tpu.wait_dma2 semaphore(%arg17 : memref<!tpu.dma_semaphore, #tpu.memory_space<semaphore_mem>>) src(%arg9 : memref<128x128xf32, #tpu.memory_space<vmem>>) dst(%dma_wait3A_109 : memref<128x128xf32, #tpu.memory_space<hbm>>)
    return
  }
}

module attributes {stable_mosaic.version = 14 : i64} {
  func.func @_mm_body(%arg0: i32, %arg1: i32, %arg2: memref<1000x128xf32, #tpu.memory_space<vmem>>, %arg3: memref<512x128xf32, #tpu.memory_space<vmem>>, %arg4: memref<1x1000x512xf32, #tpu.memory_space<vmem>>) attributes {dimension_semantics = [#tpu.dimension_semantics<arbitrary>, #tpu.dimension_semantics<arbitrary>], iteration_bounds = array<i64: 20, 8>, scalar_prefetch = 0 : i64, scratch_operands = 0 : i64, tpu.core_type = #tpu.core_type<tc>, window_params = [{pipeline_mode = #tpu.pipeline_mode<synchronous>, transform_indices = @transform_0, window_bounds = array<i64: 1000, 128>}, {transform_indices = @transform_1, window_bounds = array<i64: 512, 128>}, {transform_indices = @transform_2, window_bounds = array<i64: 1, 1000, 512>}]} {
    %get3A = arith.constant 0 : index
    %get3A_0 = arith.constant 0 : index
    %get3A_1 = vector.load %arg2[%get3A, %get3A_0] : memref<1000x128xf32, #tpu.memory_space<vmem>>, vector<1000x128xf32>
    %get3A_2 = arith.constant 0 : index
    %get3A_3 = arith.constant 0 : index
    %get3A_4 = vector.load %arg3[%get3A_2, %get3A_3] : memref<512x128xf32, #tpu.memory_space<vmem>>, vector<512x128xf32>
    %dot_general3A = arith.constant dense<0.000000e+00> : vector<1000x512xf32>
    %dot_general3A_5 = tpu.matmul %get3A_1, %get3A_4, %dot_general3A {dimension_numbers = #tpu.dot_dimension_numbers<[1], [1], [0], [0], [0, 0, 1, 0], [], []>, transpose_lhs_hint = false} : vector<1000x128xf32>, vector<512x128xf32>, vector<1000x512xf32> -> vector<1000x512xf32>
    %swap3A = arith.constant 0 : index
    %swap3A_6 = arith.constant 0 : index
    %swap3A_7 = arith.constant 0 : index
    %swap3A_8 = vector.load %arg4[%swap3A, %swap3A_6, %swap3A_7] : memref<1x1000x512xf32, #tpu.memory_space<vmem>>, vector<1x1000x512xf32>
    %swap3A_9 = vector.shape_cast %swap3A_8 : vector<1x1000x512xf32> to vector<1000x512xf32>
    %swap3A_10 = vector.shape_cast %dot_general3A_5 : vector<1000x512xf32> to vector<1x1000x512xf32>
    tpu.vector_store %arg4[%swap3A, %swap3A_6, %swap3A_7], %swap3A_10 {strides = array<i32>} : memref<1x1000x512xf32, #tpu.memory_space<vmem>>, vector<1x1000x512xf32>,
    return
  }
  func.func @transform_0(%arg0: i32, %arg1: i32) -> (i32, i32) {
    %c0_i32 = arith.constant 0 : i32
    %c0_i32_0 = arith.constant 0 : i32
    %c0_i32_1 = arith.constant 0 : i32
    return %c0_i32, %c0_i32_0 : i32, i32
  }
  func.func @transform_1(%arg0: i32, %arg1: i32) -> (i32, i32) {
    %mul3A = arith.constant 8 : i32
    %mul3A_0 = arith.muli %arg0, %mul3A : i32
    %add3A = arith.addi %mul3A_0, %arg1 : i32
    %c0_i32 = arith.constant 0 : i32
    %c0_i32_1 = arith.constant 0 : i32
    return %add3A, %c0_i32 : i32, i32
  }
  func.func @transform_2(%arg0: i32, %arg1: i32) -> (i32, i32, i32) {
    %c0_i32 = arith.constant 0 : i32
    %c0_i32_0 = arith.constant 0 : i32
    return %arg0, %c0_i32, %arg1 : i32, i32, i32
  }
}

</mosaic_0001>

<sc_bundles>
// kernel: kernel.4.cloned.1.call-start
scs
__scs_entry_jumppad:
0x0: {  	(pc) =	sbr.rel $0x88, $3  }
0x1: {  	(tag) =	ssettag $0x0;
	lr =	simm.s32 $0x1  }
0x2: {  	[smem:$0x3F9D] =	sst lr;
	_ =	strace $0xD0000000  }
0x3: {  	_ = 	snop  }
0x4: {  	_ = 	snop  }
0x5: {  	_ = 	snop  }
0x6: {  	_ = 	snop  }
0x7: {  	_ = 	snop  }
__scs_overlays_trampoline_lowered:
0x8: {  	[smem:$0x3FAC] =	sst s0  }
0x9: {  	[smem:$0x3FAD] =	sst s1  }
0xa: {  	[smem:$0x3FAE] =	sst s2  }
0xb: {  	[smem:$0x3FAF] =	sst s3  }
0xc: {  	[smem:$0x3FB0] =	sst s4  }
0xd: {  	[smem:$0x3FB1] =	sst s5  }
0xe: {  	[smem:$0x3FB2] =	sst s6  }
0xf: {  	[smem:$0x3FB3] =	sst s7  }
0x10: {  	[smem:$0x3FB4] =	sst s8  }
0x11: {  	[smem:$0x3FB5] =	sst s9;
	s0 =	simm.s32 @!p0 $0x0  }
0x12: {  	s1 =	sld [smem:$0x3F9B];
	s0 =	simm.s32 @p0 $0x1  }
0x13: {  	[smem:$0x3FB6] =	sst s0;
	s0 =	simm.s32 @!p1 $0x0  }
0x14: {  	s2 =	sld [smem:$0x3F9A];
	s0 =	simm.s32 @p1 $0x1  }
0x15: {  	[smem:$0x3FB7] =	sst s0;
	s0 =	simm.s32 @!p2 $0x0  }
0x16: {  	s3 =	sld [smem:$0x3FDB];
	s0 =	simm.s32 @p2 $0x1  }
0x17: {  	s4 =	simm.s32 $0x1BF5;
	[smem:$0x3FB9] =	sst s0  }
0x18: {  	s0 =	sld [smem:$0x3F9C];
	_ =	swait.ge [sflag:s4], $0x0  }
0x19: {  	s7 =	sld [smem:$0x3F9D]  }
0x1a: {  	s8 =	sadd.s32 $0xFFFFE003, lr  }
0x1b: {  	s9 =	sadd.s32 $0xFFFFFEF7, lr;
	s5 =	simm.s32 $0xFFFFFFFF;
	p2 =	slt.u32 s8, $0xFFFFF086  }
0x1c: {  	p1 =	slt.u32 s9, $0xF7A;
	s5 =	simm.s32 @!p2 $0x0  }
0x1d: {  	s5 =	simm.s32 @p1 $0x1;
	p0 =	seq.s32 s7, s2  }
0x1e: {  	s7 =	smul.u32 @!p0 $0xF7A, s2;
	p2 =	seq.s32 @!p0 s5, $0x0  }
0x1f: {  	s9 =	smul.u32 $0xF7A, s1;
	s8 =	simm.s32 @!p0 $0x1BF5;
	p2 =	por !p2, p0  }
0x20: {  	[sflag:s8] =	ssyncset.s32 @!p0 $0xFFFFF086;
	s6 =	sadd.s32 @!p0 s3, s7;
	s7 =	simm.s32 @!p0 $0x108  }
0x21: {  	s3 =	sadd.s32 s3, s9;
	s6 =	sadd.s32 @!p0 $0x88, s6;
	s7 =	simm.s32 @p2 $0x1082  }
0x22: {  	[simem:s7], [sflag:s8] =	dma.local @!p0 [hbm:s6], $0xF7A  }
0x23: {  	s9 =	sor.u32 $0xD0000000, s2;
	s6 =	simm.s32 $0x108;
	_ =	swait.ge @!p0 [sflag:s8], $0x0  }
0x24: {  	s3 =	sadd.s32 $0x88, s3;
	s6 =	simm.s32 @!p1 $0x1082;
	[sflag:s4] =	ssyncset.s32 $0xFFFFF086  }
0x25: {  	[simem:s6], [sflag:s4] =	dma.local [hbm:s3], $0xF7A  }
0x26: {  	[smem:$0x3F9D] =	sst s1;
	(tag) =	ssettag s2;
	_ =	strace s9  }
0x27: {  	s1 =	sld [smem:$0x3FAD]  }
0x28: {  	s2 =	sld [smem:$0x3FAE]  }
0x29: {  	s4 =	sld [smem:$0x3FB0]  }
0x2a: {  	p0 =	seq.s32 s5, $0x0;
	s5 =	sld [smem:$0x3FB1]  }
0x2b: {  	s6 =	sld [smem:$0x3FB2]  }
0x2c: {  	s7 =	sld [smem:$0x3FB3]  }
0x2d: {  	s3 =	simm.s32 $0x108;
	s8 =	sld [smem:$0x3FB4]  }
0x2e: {  	s3 =	simm.s32 @!p0 $0x1082;
	s9 =	sld [smem:$0x3FB5]  }
0x2f: {  	lr =	sadd.s32 s0, s3;
	s0 =	sld [smem:$0x3FAC]  }
0x30: {  	s3 =	sld [smem:$0x3FAF]  }
0x31: {  	[smem:$0x3FB8] =	sst s10  }
0x32: {  	s10 =	sld [smem:$0x3FB6];
	_ =	sdelay $0x3  }
0x33: {  	p0 =	seq.s32 s10, $0x1;
	s10 =	sld [smem:$0x3FB8];
	_ =	sdelay $0x3  }
0x34: {  	[smem:$0x3FB8] =	sst s10  }
0x35: {  	s10 =	sld [smem:$0x3FB7];
	_ =	sdelay $0x3  }
0x36: {  	p1 =	seq.s32 s10, $0x1;
	s10 =	sld [smem:$0x3FB8];
	_ =	sdelay $0x3  }
0x37: {  	[smem:$0x3FB8] =	sst s10  }
0x38: {  	s10 =	sld [smem:$0x3FB9]  }
0x39: {  	_ = 	snop;
	(pc) =	sbr.ind lr, $3  }
0x3a: {  	_ = 	snop  }
0x3b: {  	_ = 	snop  }
0x3c: {  	p2 =	seq.s32 s10, $0x1;
	s10 =	sld [smem:$0x3FB8]  }
0x3d: {  	_ =	shalt  }
0x3e: {  	_ =	shalt  }
0x3f: {  	_ =	shalt  }
0x40: {  	_ =	shalt  }
0x41: {  	_ =	shalt  }
0x42: {  	_ =	shalt  }
0x43: {  	_ =	shalt  }
0x44: {  	_ =	shalt  }
0x45: {  	_ =	shalt  }
0x46: {  	_ =	shalt  }
0x47: {  	_ =	shalt  }
0x48: {  	_ =	shalt  }
0x49: {  	_ =	shalt  }
0x4a: {  	_ =	shalt  }
0x4b: {  	_ =	shalt  }
0x4c: {  	_ =	shalt  }
0x4d: {  	_ =	shalt  }
0x4e: {  	_ =	shalt  }
0x4f: {  	_ =	shalt  }
0x50: {  	_ =	shalt  }
0x51: {  	_ =	shalt  }
0x52: {  	_ =	shalt  }
0x53: {  	_ =	shalt  }
0x54: {  	_ =	shalt  }
0x55: {  	_ =	shalt  }
0x56: {  	_ =	shalt  }
0x57: {  	_ =	shalt  }
0x58: {  	_ =	shalt  }
0x59: {  	_ =	shalt  }
0x5a: {  	_ =	shalt  }
0x5b: {  	_ =	shalt  }
0x5c: {  	_ =	shalt  }
0x5d: {  	_ =	shalt  }
0x5e: {  	_ =	shalt  }
0x5f: {  	_ =	shalt  }
0x60: {  	_ =	shalt  }
0x61: {  	_ =	shalt  }
0x62: {  	_ =	shalt  }
0x63: {  	_ =	shalt  }
0x64: {  	_ =	shalt  }
0x65: {  	_ =	shalt  }
0x66: {  	_ =	shalt  }
0x67: {  	_ =	shalt  }
0x68: {  	_ =	shalt  }
0x69: {  	_ =	shalt  }
0x6a: {  	_ =	shalt  }
0x6b: {  	_ =	shalt  }
0x6c: {  	_ =	shalt  }
0x6d: {  	_ =	shalt  }
0x6e: {  	_ =	shalt  }
0x6f: {  	_ =	shalt  }
0x70: {  	_ =	shalt  }
0x71: {  	_ =	shalt  }
0x72: {  	_ =	shalt  }
0x73: {  	_ =	shalt  }
0x74: {  	_ =	shalt  }
0x75: {  	_ =	shalt  }
0x76: {  	_ =	shalt  }
0x77: {  	_ =	shalt  }
0x78: {  	_ =	shalt  }
0x79: {  	_ =	shalt  }
0x7a: {  	_ =	shalt  }
0x7b: {  	_ =	shalt  }
0x7c: {  	_ =	shalt  }
0x7d: {  	_ =	shalt  }
0x7e: {  	_ =	shalt  }
0x7f: {  	_ =	shalt  }
0x80: {  	_ =	shalt  }
0x81: {  	_ =	shalt  }
0x82: {  	_ =	shalt  }
0x83: {  	_ =	shalt  }
0x84: {  	_ =	shalt  }
0x85: {  	_ =	shalt  }
0x86: {  	_ =	shalt  }
0x87: {  	_ =	shalt  }
.Lfunc_end0:
.L_simem_size_0:
called_computation_lowered:
.L_overlay_start_0:
0x88: {  	s2 =	sld [smem:$0x3FD9]  }
0x89: {  	s3 =	sld [smem:$0x3FFE];
	_ =	sdelay $0x1  }
0x8a: {  	s1 =	srdreg.scid  }
0x8b: {  	s0 =	sand.u32 $0x1, s1  }
0x8c: {  	s17 =	sshll.u32 s0, $0xA;
	s2 =	sadd.s32 s3, s2  }
0x8d: {  	s2 =	sadd.s32 s2, s17  }
0x8e: {  	[smem:$0x3FC4] =	sst s2  }
0x8f: {  	_ = 	snop  }
0x90: {  	s2 =	sld [smem:$0x3FD0];
	(tm) =	ssettm $0x1  }
0x91: {  	s18 =	sld [smem:$0x3FFB];
	_ =	sdelay $0x3  }
0x92: {  	_ =	strace s18  }
0x93: {  	s3 =	sld [smem:$0x3FFC];
	_ =	sdelay $0x3  }
0x94: {  	_ =	strace s3  }
0x95: {  	s3 =	sld [smem:$0x3FFD];
	_ =	sdelay $0x3  }
0x96: {  	_ =	strace s3  }
0x97: {  	_ =	strace $0x8FFFFFFF  }
0x98: {  	s19 =	sld [smem:$0x3FDB];
	_ =	sdelay $0x1  }
0x99: {  	s4 =	simm.s32 $_scs_section_size  }
0x9a: {  	s5 =	simm.s32 $_size__tile_overlayer_lowered;
	s6 =	simm.s32 $_tile_overlayer_lowered  }
0x9b: {  	s22 =	simm.s32 $0x1BFF;
	s21 =	sshll.u32 s6, $0x1;
	s3 =	sadd.s32 s4, s19  }
0x9c: {  	s7 =	simm.s32 $0x0;
	s20 =	sshll.u32 s5, $0x1;
	s5 =	sadd.s32 s21, s3  }
0x9d: {  	[timem:s7], [sflag:s22] =	dma.local [hbm:s5], s20  }
0x9e: {  	_ =	swait.ge [sflag:s22], s20  }
0x9f: {  	s4 =	ssub.s32 $0x0, s20;
	[sflag:s22] =	ssyncset.done $0x0  }
0xa0: {  	[sflag:s22] =	ssyncadd.s32 s4;
	_ =	sdelay $0x1  }
0xa1: {  	s23 =	simm.s32 $0x1B8B  }
0xa2: {  	_ =	swait.ge [sflag:s23], $0x1  }
0xa3: {  	[sflag:s23] =	ssyncset.done $0x0  }
0xa4: {  	s25 =	simm.s32 $0x1B8E;
	s24 =	sld [smem:$0x3FFE];
	[sflag:s23] =	ssyncadd.s32 $0xFFFFFFFF  }
0xa5: {  	s26 =	simm.s32 $execute0_lowered;
	[smem:$0x3FD2] =	sst s25  }
0xa6: {  	s5 =	sshll.u32 s26, $0x1;
	_ =	strace $0x80000046;
	[dreg:$0x1] =	wrdreg $0xFFFFFFFF  }
0xa7: {  	s28 =	simm.s32 $_size_execute0_lowered;
	s3 =	sadd.s32 s3, s5;
	[dreg:$0x0] =	wrdreg $0x0  }
0xa8: {  	s5 =	sshll.u32 s28, $0x1;
	[dreg:$0x2] =	wrdreg s3  }
0xa9: {  	[dreg:$0x3] =	wrdreg s5  }
0xaa: {  	[dreg:$0x4] =	wrdreg $0xC0  }
0xab: {  	_ =	task [dreg:s7], $0x5FFFF  }
0xac: {  	[dreg:$0x1] =	wrdreg $0xFFFFFFFF  }
0xad: {  	[dreg:$0x0] =	wrdreg $0x60  }
0xae: {  	[dreg:$0x2] =	wrdreg s2  }
0xaf: {  	[dreg:$0x3] =	wrdreg s24  }
0xb0: {  	[dreg:$0x4] =	wrdreg $0x9  }
0xb1: {  	_ =	task.clear_ibuf [dreg:s7], $0x5FFFF;
	_ =	strace $0x90000046  }
0xb2: {  	s29 =	simm.s32 $0x9;
	_ =	strace $0x80000048  }
0xb3: {  	_ =	swait.ge [sflag:s29], $0x1  }
0xb4: {  	[sflag:s29] =	ssyncadd.s32 $0xFFFFFFFF  }
0xb5: {  	_ =	strace $0x90000048  }
0xb6: {  	_ =	sfence  }
0xb7: {  	s30 =	sld [smem:$0x0];
	_ =	sdelay $0x2  }
0xb8: {  	s31 =	sshll.u32 s1, $0xD;
	s1 =	sshrl.u32 s1, $0x2  }
0xb9: {  	s3 =	sand.u32 $0x4000, s31;
	s1 =	sadd.s32 s1, s30  }
0xba: {  	s0 =	sor.u32 s3, s0;
	s1 =	sshll.u32 s1, $0x11  }
0xbb: {  	s0 =	sor.u32 s1, s0  }
0xbc: {  	s0 =	sadd.s32 $0x8F2B, s0  }
0xbd: {  	[sflag:s0] =	ssyncadd.remote.s32 $0x1  }
0xbe: {  	_ =	sfence.sel $0xFFFF  }
0xbf: {  	[dreg:$0x0] =	wrdreg $0xFFFFFFFF;
	(pc) =	sbr.abs _section_cstart, $3  }
0xc0: {  	[dreg:$0x1] =	wrdreg $0xFFFFFFFF  }
0xc1: {  	_ =	task.clear_ibuf [dreg:s7], $0x2FFFF;
	_ =	strace $0x9FFFFFFF  }
0xc2: {  	(tm) =	ssettm $0x7FFFFFFF  }
0xc3: {  	_ =	shalt  }
tec
execute0_lowered:
.L_overlay_start_1:
0x0: {  	(tag) =	ssettag $0x1  }
0x1: {  	s1 =	srdreg.scid  }
0x2: {  	s0 =	stileid.u32;
	s2 =	rddreg [dreg:$0x0]  }
0x3: {  	s4 =	rddreg [dreg:$0x1];
	s14 =	simm.s32 $0xA00;
	s15 =	simm.s32 $0x4A00  }
0x4: {  	s17 =	simm.s32 $0x8A00;
	s18 =	simm.s32 $0x180;
	s19 =	simm.s32 $0xCA00  }
0x5: {  	s20 =	simm.s32 $0x1;
	s21 =	simm.s32 $0x5;
	s22 =	simm.s32 $0x2  }
0x6: {  	s23 =	simm.s32 $0x6;
	s24 =	simm.s32 $0x3;
	s25 =	simm.s32 $0x7  }
0x7: {  	s26 =	simm.s32 $0x4;
	s28 =	simm.s32 $0x8;
	s8 =	smul.u32 $0xA0000, s0  }
0x8: {  	s1 =	sand.u32 $0x1, s1;
	s3 =	sshll.u32 s0, $0x1;
	s13 =	smul.u32 $0x14000, s0  }
0x9: {  	s29 =	simm.s32 $0x0;
	s5 =	sor.u32 s1, s3;
	s12 =	smul.u32 $0x50000, s1  }
0xa: {  	s3 =	simm.s32 $0x0;
	s30 =	ssub.s32 $0x2, s1;
	s1 =	smul.u32 $0xA000, s1  }
0xb: {  	s11 =	sadd.s32 $0x2C00, s4;
	s6 =	smul.u32 $0xA00, s5;
	[smem:$0x7FF] =	sst s3  }
0xc: {  	s5 =	smul.u32 $0x50000, s5;
	s7 =	sshrl.u32 s30, $0x1;
	_ =	strace $0x80000047  }
0xd: {  	s9 =	ssub.s32 s30, s7;
	s12 =	sadd.s32 s12, s8;
	s6 =	sshrl.u32 s6, $0x3  }
0xe: {  	s5 =	sshrl.u32 s5, $0x3;
	s31 =	sshrl.u32 s12, $0x3;
	s6 =	sadd.s32 s6, s4  }
0xf: {  	s9 =	smax.u32 s9, $0x1;
	s10 =	sadd.s32 s11, s5;
	s4 =	sadd.s32 $0x400, s6  }
0x10: {  	s5 =	sadd.s32 $0x8000, s10;
	s6 =	sadd.s32 $0x8800, s10;
	s7 =	sadd.s32 $0x9000, s10  }
0x11: {  	s8 =	sadd.s32 $0x9800, s10;
	s10 =	sadd.s32 s31, s11;
	s11 =	sadd.s32 s13, s11  }
0x12: {  	s12 =	simm.s32 $0x9;
	s13 =	simm.s32 $0x80;
	s11 =	sadd.s32 s1, s11  }
.LBB2_1:
0x13: {  	[tilespmem:s3], [sflag:$0x9] =	stream.linear.gather [hbm4b:s4+s3], $0xA00, $0x38;
	[tilespmem:$0x10A00] =	vst v63  }
0x14: {  	_ =	swait.ge [sflag:s12], $0xA00  }
0x15: {  	[sflag:s12] =	ssyncset.done $0x0  }
0x16: {  	[sflag:s12] =	ssyncadd.s32 $0xFFFFF600  }
0x17: {  	[tilespmem:s14], [sflag:$0x1] =	stream.indirect.gather [hbm4b:s2+s13], $0x80, s3, s13, $0xb8;
	[tilespmem:$0x10A00] =	vst v63  }
0x18: {  	_ = 	snop  }
0x19: {  	[tilespmem:s15], [sflag:$0x2] =	stream.indirect.gather [hbm4b:s2+s13], $0x80, s13, s13, $0xb8;
	[tilespmem:$0x10A00] =	vst v63  }
0x1a: {  	s0 =	simm.s32 $0x100  }
0x1b: {  	[tilespmem:s17], [sflag:$0x3] =	stream.indirect.gather [hbm4b:s2+s13], $0x80, s0, s13, $0xb8;
	[tilespmem:$0x10A00] =	vst v63  }
0x1c: {  	_ = 	snop  }
0x1d: {  	[tilespmem:s19], [sflag:$0x4] =	stream.indirect.gather [hbm4b:s2+s13], $0x80, s18, s13, $0xb8;
	[tilespmem:$0x10A00] =	vst v63  }
0x1e: {  	_ =	swait.ge [sflag:s20], $0x4000  }
0x1f: {  	[sflag:s20] =	ssyncset.done $0x0  }
0x20: {  	s1 =	sadd.s32 $0x0, s10;
	[sflag:s20] =	ssyncadd.s32 $0xFFFFC000  }
0x21: {  	[hbm4b:s1+s3] =	stream.linear.scatter [tilespmem:s14], [sflag:$0x5], $0x4000, $0x38;
	[tilespmem:$0x10A00] =	vst v63  }
0x22: {  	_ =	swait.ge [sflag:s21], $0x4000  }
0x23: {  	[sflag:s21] =	ssyncset.done $0x0  }
0x24: {  	s0 =	simm.s32 $0x200;
	[sflag:s21] =	ssyncadd.s32 $0xFFFFC000  }
0x25: {  	[tilespmem:s14], [sflag:$0x1] =	stream.indirect.gather [hbm4b:s2+s13], $0x80, s0, s13, $0xb8;
	[tilespmem:$0x10A00] =	vst v63  }
0x26: {  	_ =	swait.ge [sflag:s22], $0x4000  }
0x27: {  	s16 =	sadd.s32 $0x0, s11;
	[sflag:s22] =	ssyncset.done $0x0  }
0x28: {  	s30 =	sadd.s32 $0x800, s16;
	[sflag:s22] =	ssyncadd.s32 $0xFFFFC000  }
0x29: {  	[hbm4b:s30+s3] =	stream.linear.scatter [tilespmem:s15], [sflag:$0x6], $0x4000, $0x38;
	[tilespmem:$0x10A00] =	vst v63  }
0x2a: {  	_ =	swait.ge [sflag:s23], $0x4000  }
0x2b: {  	[sflag:s23] =	ssyncset.done $0x0  }
0x2c: {  	s30 =	simm.s32 $0x280;
	[sflag:s23] =	ssyncadd.s32 $0xFFFFC000  }
0x2d: {  	[tilespmem:s15], [sflag:$0x2] =	stream.indirect.gather [hbm4b:s2+s13], $0x80, s30, s13, $0xb8;
	[tilespmem:$0x10A00] =	vst v63  }
0x2e: {  	_ =	swait.ge [sflag:s24], $0x4000  }
0x2f: {  	[sflag:s24] =	ssyncset.done $0x0  }
0x30: {  	s30 =	sadd.s32 $0x1000, s16;
	[sflag:s24] =	ssyncadd.s32 $0xFFFFC000  }
0x31: {  	[hbm4b:s30+s3] =	stream.linear.scatter [tilespmem:s17], [sflag:$0x7], $0x4000, $0x38;
	[tilespmem:$0x10A00] =	vst v63  }
0x32: {  	_ =	swait.ge [sflag:s25], $0x4000  }
0x33: {  	[sflag:s25] =	ssyncset.done $0x0  }
0x34: {  	s30 =	simm.s32 $0x300;
	[sflag:s25] =	ssyncadd.s32 $0xFFFFC000  }
0x35: {  	[tilespmem:s17], [sflag:$0x3] =	stream.indirect.gather [hbm4b:s2+s13], $0x80, s30, s13, $0xb8;
	[tilespmem:$0x10A00] =	vst v63  }
0x36: {  	_ =	swait.ge [sflag:s26], $0x4000  }
0x37: {  	[sflag:s26] =	ssyncset.done $0x0  }
0x38: {  	s1 =	sadd.s32 $0x1800, s16;
	[sflag:s26] =	ssyncadd.s32 $0xFFFFC000  }
0x39: {  	[hbm4b:s1+s3] =	stream.linear.scatter [tilespmem:s19], [sflag:$0x8], $0x4000, $0x38;
	[tilespmem:$0x10A00] =	vst v63  }
0x3a: {  	_ =	swait.ge [sflag:s28], $0x4000  }
0x3b: {  	s31 =	simm.s32 $0x2000;
	[sflag:s28] =	ssyncset.done $0x0  }
0x3c: {  	s30 =	simm.s32 $0x380;
	s1 =	simm.s32 $0x580;
	[sflag:s28] =	ssyncadd.s32 $0xFFFFC000  }
.LBB2_2:
0x3d: {  	[tilespmem:s19], [sflag:$0x4] =	stream.indirect.gather [hbm4b:s2+s13], $0x80, s30, s13, $0xb8;
	[tilespmem:$0x10A00] =	vst v63  }
0x3e: {  	s0 =	smov.u32 s31;
	s30 =	smov.u32 s1  }
0x3f: {  	p0 =	sne.s32 s31, $0x6000;
	s31 =	sadd.s32 $0x2000, s31;
	_ =	swait.ge [sflag:s20], $0x4000  }
0x40: {  	[sflag:s20] =	ssyncset.done $0x0  }
0x41: {  	s16 =	sadd.s32 s0, s10;
	[sflag:s20] =	ssyncadd.s32 $0xFFFFC000  }
0x42: {  	[hbm4b:s16+s3] =	stream.linear.scatter [tilespmem:s14], [sflag:$0x5], $0x4000, $0x38;
	[tilespmem:$0x10A00] =	vst v63  }
0x43: {  	_ =	swait.ge [sflag:s21], $0x4000  }
0x44: {  	[sflag:s21] =	ssyncset.done $0x0  }
0x45: {  	s16 =	sadd.s32 $0xFFFFFE80, s1;
	[sflag:s21] =	ssyncadd.s32 $0xFFFFC000  }
0x46: {  	[tilespmem:s14], [sflag:$0x1] =	stream.indirect.gather [hbm4b:s2+s13], $0x80, s16, s13, $0xb8;
	[tilespmem:$0x10A00] =	vst v63  }
0x47: {  	_ =	swait.ge [sflag:s22], $0x4000  }
0x48: {  	s0 =	sadd.s32 s0, s11;
	[sflag:s22] =	ssyncset.done $0x0  }
0x49: {  	s16 =	sadd.s32 $0x800, s0;
	[sflag:s22] =	ssyncadd.s32 $0xFFFFC000  }
0x4a: {  	[hbm4b:s16+s3] =	stream.linear.scatter [tilespmem:s15], [sflag:$0x6], $0x4000, $0x38;
	[tilespmem:$0x10A00] =	vst v63  }
0x4b: {  	_ =	swait.ge [sflag:s23], $0x4000  }
0x4c: {  	[sflag:s23] =	ssyncset.done $0x0  }
0x4d: {  	s16 =	sadd.s32 $0xFFFFFF00, s1;
	[sflag:s23] =	ssyncadd.s32 $0xFFFFC000  }
0x4e: {  	[tilespmem:s15], [sflag:$0x2] =	stream.indirect.gather [hbm4b:s2+s13], $0x80, s16, s13, $0xb8;
	[tilespmem:$0x10A00] =	vst v63  }
0x4f: {  	_ =	swait.ge [sflag:s24], $0x4000  }
0x50: {  	[sflag:s24] =	ssyncset.done $0x0  }
0x51: {  	s16 =	sadd.s32 $0x1000, s0;
	[sflag:s24] =	ssyncadd.s32 $0xFFFFC000  }
0x52: {  	[hbm4b:s16+s3] =	stream.linear.scatter [tilespmem:s17], [sflag:$0x7], $0x4000, $0x38;
	[tilespmem:$0x10A00] =	vst v63  }
0x53: {  	_ =	swait.ge [sflag:s25], $0x4000  }
0x54: {  	[sflag:s25] =	ssyncset.done $0x0  }
0x55: {  	s16 =	sadd.s32 $0xFFFFFF80, s1;
	[sflag:s25] =	ssyncadd.s32 $0xFFFFC000  }
0x56: {  	[tilespmem:s17], [sflag:$0x3] =	stream.indirect.gather [hbm4b:s2+s13], $0x80, s16, s13, $0xb8;
	[tilespmem:$0x10A00] =	vst v63  }
0x57: {  	_ =	swait.ge [sflag:s26], $0x4000  }
0x58: {  	[sflag:s26] =	ssyncset.done $0x0  }
.Ltmp0:
0x59: {  	s0 =	sadd.s32 $0x1800, s0;
	[sflag:s26] =	ssyncadd.s32 $0xFFFFC000;
	(pc) =	sbr.rel @p0 .LBB2_2-.Ltmp0, $4  }
0x5a: {  	[hbm4b:s0+s3] =	stream.linear.scatter [tilespmem:s19], [sflag:$0x8], $0x4000, $0x38;
	[tilespmem:$0x10A00] =	vst v63  }
0x5b: {  	_ =	swait.ge [sflag:s28], $0x4000  }
0x5c: {  	[sflag:s28] =	ssyncset.done $0x0  }
0x5d: {  	s1 =	sadd.s32 $0x200, s1;
	[sflag:s28] =	ssyncadd.s32 $0xFFFFC000  }
0x5e: {  	[tilespmem:s19], [sflag:$0x4] =	stream.indirect.gather [hbm4b:s2+s13], $0x80, s30, s13, $0xb8;
	[tilespmem:$0x10A00] =	vst v63  }
0x5f: {  	_ =	swait.ge [sflag:s20], $0x4000  }
0x60: {  	[sflag:s20] =	ssyncset.done $0x0  }
0x61: {  	[sflag:s20] =	ssyncadd.s32 $0xFFFFC000  }
0x62: {  	[hbm4b:s5+s3] =	stream.linear.scatter [tilespmem:s14], [sflag:$0x5], $0x4000, $0x38;
	[tilespmem:$0x10A00] =	vst v63  }
0x63: {  	_ =	swait.ge [sflag:s21], $0x4000  }
0x64: {  	[sflag:s21] =	ssyncset.done $0x0  }
0x65: {  	[sflag:s21] =	ssyncadd.s32 $0xFFFFC000  }
0x66: {  	_ =	swait.ge [sflag:s22], $0x4000  }
0x67: {  	[sflag:s22] =	ssyncset.done $0x0  }
0x68: {  	[sflag:s22] =	ssyncadd.s32 $0xFFFFC000  }
0x69: {  	[hbm4b:s6+s3] =	stream.linear.scatter [tilespmem:s15], [sflag:$0x6], $0x4000, $0x38;
	[tilespmem:$0x10A00] =	vst v63  }
0x6a: {  	_ =	swait.ge [sflag:s23], $0x4000  }
0x6b: {  	[sflag:s23] =	ssyncset.done $0x0  }
0x6c: {  	[sflag:s23] =	ssyncadd.s32 $0xFFFFC000  }
0x6d: {  	_ =	swait.ge [sflag:s24], $0x4000  }
0x6e: {  	[sflag:s24] =	ssyncset.done $0x0  }
0x6f: {  	[sflag:s24] =	ssyncadd.s32 $0xFFFFC000  }
0x70: {  	[hbm4b:s7+s3] =	stream.linear.scatter [tilespmem:s17], [sflag:$0x7], $0x4000, $0x38;
	[tilespmem:$0x10A00] =	vst v63  }
0x71: {  	_ =	swait.ge [sflag:s25], $0x4000  }
0x72: {  	[sflag:s25] =	ssyncset.done $0x0  }
0x73: {  	[sflag:s25] =	ssyncadd.s32 $0xFFFFC000  }
0x74: {  	s29 =	sadd.s32 $0x1, s29;
	_ =	swait.ge [sflag:s26], $0x4000  }
0x75: {  	p0 =	sne.s32 s29, s9;
	[sflag:s26] =	ssyncset.done $0x0  }
.Ltmp1:
0x76: {  	[sflag:s26] =	ssyncadd.s32 $0xFFFFC000;
	(pc) =	sbr.rel @p0 .LBB2_1-.Ltmp1, $4  }
0x77: {  	[hbm4b:s8+s3] =	stream.linear.scatter [tilespmem:s19], [sflag:$0x8], $0x4000, $0x38;
	[tilespmem:$0x10A00] =	vst v63  }
0x78: {  	_ =	swait.ge [sflag:s28], $0x4000  }
0x79: {  	[sflag:s28] =	ssyncset.done $0x0  }
0x7a: {  	[sflag:s28] =	ssyncadd.s32 $0xFFFFC000  }
0x7b: {  	_ =	sfence.sel $0x180000  }
0x7c: {  	[bflag:$0x0] =	sbarrier.arrive $0xFFFF  }
0x7d: {  	_ =	strace $0x90000047  }
0x7e: {  	s0 =	stileid.u32;
	[bflag:$0x2] =	sbarrier.arrive $0xFFFF  }
0x7f: {  	p0 =	sne.s32 s0, $0x0;
	s0 =	rddreg [dreg:$0x2]  }
0x80: {  	s0 =	sadd.s32 @!p0 $0x100000, s0  }
0x81: {  	[sflag:s0] =	ssyncadd.tile.s32 @!p0 $0x1;
	_ =	shalt  }
.Lfunc_end2:
_tile_overlayer_lowered:
.L_overlay_start_2:
0x82: {  	(tag) =	ssettag $0x2  }
0x83: {  	s0 =	rddreg [dreg:$0x0];
	s2 =	stileid.u32  }
0x84: {  	s1 =	rddreg [dreg:$0x1];
	p0 =	sne.s32 s2, $0x0  }
0x85: {  	s3 =	rddreg [dreg:$0x2];
	[bflag:$0x3] =	sbarrier.arrive $0xFFFF;
	s2 =	simm.s32 @!p0 $0x1C09  }
0x86: {  	[timem:s3], [sflag:s2] =	dma.local @!p0 [hbm:s0], s1  }
0x87: {  	s0 =	simm.s32 @!p0 $0x9  }
0x88: {  	_ =	swait.ge @!p0 [sflag:s0], s1  }
0x89: {  	s1 =	ssub.s32 @!p0 $0x0, s1;
	[sflag:s0] =	ssyncset.done @!p0 $0x0  }
0x8a: {  	[sflag:s0] =	ssyncadd.s32 @!p0 s1  }
0x8b: {  	[bflag:$0x3] =	sbarrier.arrive $0xFFFF  }
0x8c: {  	_ =	shalt  }

</sc_bundles>
